<compile_context>
chip_gen: v7x
topology: tpu7x:2x2x1
jax: 0.10.2.dev20260603
libtpu: 0.0.44.dev20260713+nightly
codegen_flags: <defaults>
</compile_context>

<pallas_src>
import functools

import jax
import jax.numpy as jnp
from jax import lax
from jax.experimental import pallas as pl
from jax.experimental.pallas import tpu as pltpu
from jax.experimental.pallas import tpu_sc as plsc

_NC = 2
_NS = 16
_NW = _NC * _NS
_CHR = 512


def _make_sc_copy(rows, d):
    rows_per_w = rows // _NW
    nj_per_tensor = rows_per_w // _CHR
    half = nj_per_tensor // 2
    mesh = plsc.VectorSubcoreMesh(
        core_axis_name="c", subcore_axis_name="s",
        num_cores=_NC, num_subcores=_NS)

    @functools.partial(
        pl.kernel,
        out_type=[jax.ShapeDtypeStruct((rows, d), jnp.float16)] * 2,
        mesh=mesh,
        scratch_types=(
            [pltpu.VMEM((_CHR, d), jnp.float16)] * 2
            + [pltpu.MemorySpace.VMEM_SHARED((_NS, 2, _CHR, d), jnp.float16)]
            + [pltpu.SemaphoreType.DMA] * 8
        ),
    )
    def sc_copy(k_hbm, v_hbm, ko_hbm, vo_hbm,
                t0, t1, sh, ai0, ai1, ao0, ao1, bi0, bi1, bo0, bo1):
        sid = lax.axis_index("s")
        wid = sid * _NC + lax.axis_index("c")
        base = wid * rows_per_w

        abufs, asin, asout = (t0, t1), (ai0, ai1), (ao0, ao1)
        bbufs = (sh.at[sid, 0], sh.at[sid, 1])
        bsin, bsout = (bi0, bi1), (bo0, bo1)

        ajobs, bjobs = [], []
        for src, dst in ((k_hbm, ko_hbm), (v_hbm, vo_hbm)):
            for c in range(nj_per_tensor):
                (ajobs if c < half else bjobs).append((src, dst, c * _CHR))

        def mk(jobs, bufs, sin, sout):
            ins, outs = [], []
            for j, (src, dst, off) in enumerate(jobs):
                b = j % len(bufs)
                sl = pl.ds(base + off, _CHR)
                ins.append(pltpu.make_async_copy(src.at[sl], bufs[b], sin[b]))
                outs.append(pltpu.make_async_copy(bufs[b], dst.at[sl], sout[b]))
            return ins, outs

        ains, aouts = mk(ajobs, abufs, asin, asout)
        bins, bouts = mk(bjobs, bbufs, bsin, bsout)

        nj = len(ajobs)
        for j in range(min(2, nj)):
            ains[j].start()
            bins[j].start()
        for j in range(nj):
            ains[j].wait()
            aouts[j].start()
            bins[j].wait()
            bouts[j].start()
            nxt = j + 2
            if nxt < nj:
                aouts[j].wait()
                ains[nxt].start()
                bouts[j].wait()
                bins[nxt].start()
        for j in range(max(0, nj - 2), nj):
            aouts[j].wait()
            bouts[j].wait()

    return sc_copy


def kernel(key_states, value_states, k_cache, v_cache, layer_idx):
    B, H, S, D = key_states.shape
    rows = B * H * S
    k = key_states.reshape(rows, D)
    v = value_states.reshape(rows, D)
    ko, vo = _make_sc_copy(rows, D)(k, v)
    return ko.reshape(B, H, S, D), vo.reshape(B, H, S, D)

# --- scband reference (transcript-rebuilt; emitter-appended) ---
"""Pipeline reference for scband-sliding-window-kvcache-13932873908603 (READ-ONLY COPY).

The authoritative reference and input builder live on the scoring server;
editing this copy changes nothing except your own understanding.
"""

import jax, jax.numpy as jnp
import numpy as np

WINDOW_SIZE = 4096
NUM_HEADS = 32
HEAD_DIM = 128
SEQ_LEN = 2048


def setup_inputs(seed: int = 0) -> dict:
    key = jax.random.key(seed)
    k1, k2 = jax.random.split(key)
    key_states = jax.random.normal(k1, (1, NUM_HEADS, SEQ_LEN, HEAD_DIM), dtype=jnp.float32).astype(jnp.float16)
    value_states = jax.random.normal(k2, (1, NUM_HEADS, SEQ_LEN, HEAD_DIM), dtype=jnp.float32).astype(jnp.float16)
    k_cache = jnp.zeros((1, NUM_HEADS, WINDOW_SIZE, HEAD_DIM), dtype=jnp.float16)
    v_cache = jnp.zeros((1, NUM_HEADS, WINDOW_SIZE, HEAD_DIM), dtype=jnp.float16)
    return {
        "key_states": key_states,
        "value_states": value_states,
        "k_cache": k_cache,
        "v_cache": v_cache,
        "layer_idx": 0,
    }


def reference(key_states, value_states, k_cache, v_cache, layer_idx):
    # Faithful translation of SlidingWindowKVCache.forward with
    # current_position = 0 (fresh cache). seq_len <= window_size, so no wrap.
    batch_size, num_heads, seq_len, head_dim = key_states.shape
    current_pos = 0
    new_pos = current_pos + seq_len
    # new_pos (2048) <= window_size (4096): straight scatter-overwrite into cache
    k_cache = k_cache.at[0, :, current_pos:new_pos, :].set(key_states[0, :, :, :])
    v_cache = v_cache.at[0, :, current_pos:new_pos, :].set(value_states[0, :, :, :])
    effective_length = min(new_pos, WINDOW_SIZE)
    return (k_cache[:, :, :effective_length, :], v_cache[:, :, :effective_length, :])

if __name__ == "__main__":
    import jax
    _d = setup_inputs()
    print(jax.jit(kernel)(*tuple(_d.values())))

</pallas_src>

<mosaic_0001>
#map = affine_map<(d0, d1) -> (0, 0)>
module attributes {stable_mosaic.version = 14 : i64} {
  func.func @sc_copy(%arg0: i32, %arg1: i32, %arg2: memref<65536x128xf16, #tpu.memory_space<hbm>>, %arg3: memref<65536x128xf16, #tpu.memory_space<hbm>>, %arg4: memref<65536x128xf16, #tpu.memory_space<hbm>>, %arg5: memref<65536x128xf16, #tpu.memory_space<hbm>>, %arg6: memref<512x128xf16, #tpu.memory_space<vmem>>, %arg7: memref<512x128xf16, #tpu.memory_space<vmem>>, %arg8: memref<16x2x512x128xf16, #tpu.memory_space<vmem_shared>>, %arg9: memref<!tpu.dma_semaphore, #tpu.memory_space<semaphore_mem>>, %arg10: memref<!tpu.dma_semaphore, #tpu.memory_space<semaphore_mem>>, %arg11: memref<!tpu.dma_semaphore, #tpu.memory_space<semaphore_mem>>, %arg12: memref<!tpu.dma_semaphore, #tpu.memory_space<semaphore_mem>>, %arg13: memref<!tpu.dma_semaphore, #tpu.memory_space<semaphore_mem>>, %arg14: memref<!tpu.dma_semaphore, #tpu.memory_space<semaphore_mem>>, %arg15: memref<!tpu.dma_semaphore, #tpu.memory_space<semaphore_mem>>, %arg16: memref<!tpu.dma_semaphore, #tpu.memory_space<semaphore_mem>>) attributes {dimension_semantics = [#tpu.dimension_semantics<core_parallel>, #tpu.dimension_semantics<subcore_parallel>], iteration_bounds = array<i64: 2, 16>, scalar_prefetch = 0 : i64, scratch_operands = 11 : i64, tpu.core_type = #tpu.core_type<sc_vector_subcore>, window_params = [{transform_indices = #map}, {transform_indices = #map}, {transform_indices = #map}, {transform_indices = #map}]} {
    %mul3A = arith.constant 2 : i32
    %mul3A_0 = arith.muli %arg1, %mul3A : i32
    %add3A = arith.addi %mul3A_0, %arg0 : i32
    %mul3A_1 = arith.constant 2048 : i32
    %mul3A_2 = arith.muli %add3A, %mul3A_1 : i32
    %add3A_3 = arith.constant 0 : i32
    %add3A_4 = arith.addi %mul3A_2, %add3A_3 : i32
    %add3A_5 = arith.constant 512 : i32
    %add3A_6 = arith.addi %mul3A_2, %add3A_5 : i32
    %add3A_7 = arith.constant 0 : i32
    %add3A_8 = arith.addi %mul3A_2, %add3A_7 : i32
    %add3A_9 = arith.constant 512 : i32
    %add3A_10 = arith.addi %mul3A_2, %add3A_9 : i32
    %add3A_11 = arith.constant 1024 : i32
    %add3A_12 = arith.addi %mul3A_2, %add3A_11 : i32
    %add3A_13 = arith.constant 1536 : i32
    %add3A_14 = arith.addi %mul3A_2, %add3A_13 : i32
    %add3A_15 = arith.constant 1024 : i32
    %add3A_16 = arith.addi %mul3A_2, %add3A_15 : i32
    %add3A_17 = arith.constant 1536 : i32
    %add3A_18 = arith.addi %mul3A_2, %add3A_17 : i32
    %dma_start3A = arith.constant 0 : i32
    %dma_start3A_19 = tpu.memref_slice %arg2[%add3A_4, %dma_start3A] : memref<65536x128xf16, #tpu.memory_space<hbm>> -> memref<512x128xf16, #tpu.memory_space<hbm>>
    %dma_start3A_20 = arith.constant 0 : i32
    %dma_start3A_21 = tpu.memref_slice %arg2[%add3A_4, %dma_start3A_20] : memref<65536x128xf16, #tpu.memory_space<hbm>> -> memref<512x128xf16, #tpu.memory_space<hbm>>
    tpu.enqueue_dma source(%dma_start3A_21 : memref<512x128xf16, #tpu.memory_space<hbm>>) target(%arg6 : memref<512x128xf16, #tpu.memory_space<vmem>>) target_semaphore(%arg9 : memref<!tpu.dma_semaphore, #tpu.memory_space<semaphore_mem>>)
    %dma_start3A_22 = arith.constant 0 : i32
    %dma_start3A_23 = arith.constant 0 : i32
    %dma_start3A_24 = arith.constant 0 : i32
    %dma_start3A_25 = tpu.memref_slice %arg8[%arg1, %dma_start3A_22, %dma_start3A_23, %dma_start3A_24] : memref<16x2x512x128xf16, #tpu.memory_space<vmem_shared>> -> memref<1x1x512x128xf16, #tpu.memory_space<vmem_shared>>
    %dma_start3A_26 = tpu.memref_squeeze %dma_start3A_25 : memref<1x1x512x128xf16, #tpu.memory_space<vmem_shared>> -> memref<512x128xf16, #tpu.memory_space<vmem_shared>>
    %dma_start3A_27 = arith.constant 0 : i32
    %dma_start3A_28 = tpu.memref_slice %arg2[%add3A_12, %dma_start3A_27] : memref<65536x128xf16, #tpu.memory_space<hbm>> -> memref<512x128xf16, #tpu.memory_space<hbm>>
    tpu.enqueue_dma source(%dma_start3A_28 : memref<512x128xf16, #tpu.memory_space<hbm>>) target(%dma_start3A_26 : memref<512x128xf16, #tpu.memory_space<vmem_shared>>) target_semaphore(%arg13 : memref<!tpu.dma_semaphore, #tpu.memory_space<semaphore_mem>>)
    %dma_start3A_29 = arith.constant 0 : i32
    %dma_start3A_30 = tpu.memref_slice %arg2[%add3A_6, %dma_start3A_29] : memref<65536x128xf16, #tpu.memory_space<hbm>> -> memref<512x128xf16, #tpu.memory_space<hbm>>
    %dma_start3A_31 = arith.constant 0 : i32
    %dma_start3A_32 = tpu.memref_slice %arg2[%add3A_6, %dma_start3A_31] : memref<65536x128xf16, #tpu.memory_space<hbm>> -> memref<512x128xf16, #tpu.memory_space<hbm>>
    tpu.enqueue_dma source(%dma_start3A_32 : memref<512x128xf16, #tpu.memory_space<hbm>>) target(%arg7 : memref<512x128xf16, #tpu.memory_space<vmem>>) target_semaphore(%arg10 : memref<!tpu.dma_semaphore, #tpu.memory_space<semaphore_mem>>)
    %dma_start3A_33 = arith.constant 1 : i32
    %dma_start3A_34 = arith.constant 0 : i32
    %dma_start3A_35 = arith.constant 0 : i32
    %dma_start3A_36 = tpu.memref_slice %arg8[%arg1, %dma_start3A_33, %dma_start3A_34, %dma_start3A_35] : memref<16x2x512x128xf16, #tpu.memory_space<vmem_shared>> -> memref<1x1x512x128xf16, #tpu.memory_space<vmem_shared>>
    %dma_start3A_37 = tpu.memref_squeeze %dma_start3A_36 : memref<1x1x512x128xf16, #tpu.memory_space<vmem_shared>> -> memref<512x128xf16, #tpu.memory_space<vmem_shared>>
    %dma_start3A_38 = arith.constant 0 : i32
    %dma_start3A_39 = tpu.memref_slice %arg2[%add3A_14, %dma_start3A_38] : memref<65536x128xf16, #tpu.memory_space<hbm>> -> memref<512x128xf16, #tpu.memory_space<hbm>>
    tpu.enqueue_dma source(%dma_start3A_39 : memref<512x128xf16, #tpu.memory_space<hbm>>) target(%dma_start3A_37 : memref<512x128xf16, #tpu.memory_space<vmem_shared>>) target_semaphore(%arg14 : memref<!tpu.dma_semaphore, #tpu.memory_space<semaphore_mem>>)
    %dma_wait3A = arith.constant 0 : i32
    %dma_wait3A_40 = tpu.memref_slice %arg2[%add3A_4, %dma_wait3A] : memref<65536x128xf16, #tpu.memory_space<hbm>> -> memref<512x128xf16, #tpu.memory_space<hbm>>
    %dma_wait3A_41 = arith.constant 0 : i32
    %dma_wait3A_42 = tpu.memref_slice %arg2[%add3A_4, %dma_wait3A_41] : memref<65536x128xf16, #tpu.memory_space<hbm>> -> memref<512x128xf16, #tpu.memory_space<hbm>>
    tpu.wait_dma2 semaphore(%arg9 : memref<!tpu.dma_semaphore, #tpu.memory_space<semaphore_mem>>) src(%dma_wait3A_42 : memref<512x128xf16, #tpu.memory_space<hbm>>) dst(%arg6 : memref<512x128xf16, #tpu.memory_space<vmem>>)
    %dma_start3A_43 = arith.constant 0 : i32
    %dma_start3A_44 = tpu.memref_slice %arg4[%add3A_4, %dma_start3A_43] : memref<65536x128xf16, #tpu.memory_space<hbm>> -> memref<512x128xf16, #tpu.memory_space<hbm>>
    %dma_start3A_45 = arith.constant 0 : i32
    %dma_start3A_46 = tpu.memref_slice %arg4[%add3A_4, %dma_start3A_45] : memref<65536x128xf16, #tpu.memory_space<hbm>> -> memref<512x128xf16, #tpu.memory_space<hbm>>
    tpu.enqueue_dma source(%arg6 : memref<512x128xf16, #tpu.memory_space<vmem>>) target(%dma_start3A_46 : memref<512x128xf16, #tpu.memory_space<hbm>>) target_semaphore(%arg11 : memref<!tpu.dma_semaphore, #tpu.memory_space<semaphore_mem>>)
    %dma_wait3A_47 = arith.constant 0 : i32
    %dma_wait3A_48 = arith.constant 0 : i32
    %dma_wait3A_49 = arith.constant 0 : i32
    %dma_wait3A_50 = tpu.memref_slice %arg8[%arg1, %dma_wait3A_47, %dma_wait3A_48, %dma_wait3A_49] : memref<16x2x512x128xf16, #tpu.memory_space<vmem_shared>> -> memref<1x1x512x128xf16, #tpu.memory_space<vmem_shared>>
    %dma_wait3A_51 = tpu.memref_squeeze %dma_wait3A_50 : memref<1x1x512x128xf16, #tpu.memory_space<vmem_shared>> -> memref<512x128xf16, #tpu.memory_space<vmem_shared>>
    %dma_wait3A_52 = arith.constant 0 : i32
    %dma_wait3A_53 = tpu.memref_slice %arg2[%add3A_12, %dma_wait3A_52] : memref<65536x128xf16, #tpu.memory_space<hbm>> -> memref<512x128xf16, #tpu.memory_space<hbm>>
    tpu.wait_dma2 semaphore(%arg13 : memref<!tpu.dma_semaphore, #tpu.memory_space<semaphore_mem>>) src(%dma_wait3A_53 : memref<512x128xf16, #tpu.memory_space<hbm>>) dst(%dma_wait3A_51 : memref<512x128xf16, #tpu.memory_space<vmem_shared>>)
    %dma_start3A_54 = arith.constant 0 : i32
    %dma_start3A_55 = arith.constant 0 : i32
    %dma_start3A_56 = tpu.memref_slice %arg4[%add3A_12, %dma_start3A_55] : memref<65536x128xf16, #tpu.memory_space<hbm>> -> memref<512x128xf16, #tpu.memory_space<hbm>>
    %dma_start3A_57 = arith.constant 0 : i32
    %dma_start3A_58 = arith.constant 0 : i32
    %dma_start3A_59 = tpu.memref_slice %arg8[%arg1, %dma_start3A_54, %dma_start3A_57, %dma_start3A_58] : memref<16x2x512x128xf16, #tpu.memory_space<vmem_shared>> -> memref<1x1x512x128xf16, #tpu.memory_space<vmem_shared>>
    %dma_start3A_60 = tpu.memref_squeeze %dma_start3A_59 : memref<1x1x512x128xf16, #tpu.memory_space<vmem_shared>> -> memref<512x128xf16, #tpu.memory_space<vmem_shared>>
    tpu.enqueue_dma source(%dma_start3A_60 : memref<512x128xf16, #tpu.memory_space<vmem_shared>>) target(%dma_start3A_56 : memref<512x128xf16, #tpu.memory_space<hbm>>) target_semaphore(%arg15 : memref<!tpu.dma_semaphore, #tpu.memory_space<semaphore_mem>>)
    %dma_wait3A_61 = arith.constant 0 : i32
    %dma_wait3A_62 = tpu.memref_slice %arg4[%add3A_4, %dma_wait3A_61] : memref<65536x128xf16, #tpu.memory_space<hbm>> -> memref<512x128xf16, #tpu.memory_space<hbm>>
    %dma_wait3A_63 = arith.constant 0 : i32
    %dma_wait3A_64 = tpu.memref_slice %arg4[%add3A_4, %dma_wait3A_63] : memref<65536x128xf16, #tpu.memory_space<hbm>> -> memref<512x128xf16, #tpu.memory_space<hbm>>
    tpu.wait_dma2 semaphore(%arg11 : memref<!tpu.dma_semaphore, #tpu.memory_space<semaphore_mem>>) src(%arg6 : memref<512x128xf16, #tpu.memory_space<vmem>>) dst(%dma_wait3A_64 : memref<512x128xf16, #tpu.memory_space<hbm>>)
    %dma_start3A_65 = arith.constant 0 : i32
    %dma_start3A_66 = tpu.memref_slice %arg3[%add3A_8, %dma_start3A_65] : memref<65536x128xf16, #tpu.memory_space<hbm>> -> memref<512x128xf16, #tpu.memory_space<hbm>>
    %dma_start3A_67 = arith.constant 0 : i32
    %dma_start3A_68 = tpu.memref_slice %arg3[%add3A_8, %dma_start3A_67] : memref<65536x128xf16, #tpu.memory_space<hbm>> -> memref<512x128xf16, #tpu.memory_space<hbm>>
    tpu.enqueue_dma source(%dma_start3A_68 : memref<512x128xf16, #tpu.memory_space<hbm>>) target(%arg6 : memref<512x128xf16, #tpu.memory_space<vmem>>) target_semaphore(%arg9 : memref<!tpu.dma_semaphore, #tpu.memory_space<semaphore_mem>>)
    %dma_wait3A_69 = arith.constant 0 : i32
    %dma_wait3A_70 = arith.constant 0 : i32
    %dma_wait3A_71 = tpu.memref_slice %arg4[%add3A_12, %dma_wait3A_70] : memref<65536x128xf16, #tpu.memory_space<hbm>> -> memref<512x128xf16, #tpu.memory_space<hbm>>
    %dma_wait3A_72 = arith.constant 0 : i32
    %dma_wait3A_73 = arith.constant 0 : i32
    %dma_wait3A_74 = tpu.memref_slice %arg8[%arg1, %dma_wait3A_69, %dma_wait3A_72, %dma_wait3A_73] : memref<16x2x512x128xf16, #tpu.memory_space<vmem_shared>> -> memref<1x1x512x128xf16, #tpu.memory_space<vmem_shared>>
    %dma_wait3A_75 = tpu.memref_squeeze %dma_wait3A_74 : memref<1x1x512x128xf16, #tpu.memory_space<vmem_shared>> -> memref<512x128xf16, #tpu.memory_space<vmem_shared>>
    tpu.wait_dma2 semaphore(%arg15 : memref<!tpu.dma_semaphore, #tpu.memory_space<semaphore_mem>>) src(%dma_wait3A_75 : memref<512x128xf16, #tpu.memory_space<vmem_shared>>) dst(%dma_wait3A_71 : memref<512x128xf16, #tpu.memory_space<hbm>>)
    %dma_start3A_76 = arith.constant 0 : i32
    %dma_start3A_77 = arith.constant 0 : i32
    %dma_start3A_78 = arith.constant 0 : i32
    %dma_start3A_79 = tpu.memref_slice %arg8[%arg1, %dma_start3A_76, %dma_start3A_77, %dma_start3A_78] : memref<16x2x512x128xf16, #tpu.memory_space<vmem_shared>> -> memref<1x1x512x128xf16, #tpu.memory_space<vmem_shared>>
    %dma_start3A_80 = tpu.memref_squeeze %dma_start3A_79 : memref<1x1x512x128xf16, #tpu.memory_space<vmem_shared>> -> memref<512x128xf16, #tpu.memory_space<vmem_shared>>
    %dma_start3A_81 = arith.constant 0 : i32
    %dma_start3A_82 = tpu.memref_slice %arg3[%add3A_16, %dma_start3A_81] : memref<65536x128xf16, #tpu.memory_space<hbm>> -> memref<512x128xf16, #tpu.memory_space<hbm>>
    tpu.enqueue_dma source(%dma_start3A_82 : memref<512x128xf16, #tpu.memory_space<hbm>>) target(%dma_start3A_80 : memref<512x128xf16, #tpu.memory_space<vmem_shared>>) target_semaphore(%arg13 : memref<!tpu.dma_semaphore, #tpu.memory_space<semaphore_mem>>)
    %dma_wait3A_83 = arith.constant 0 : i32
    %dma_wait3A_84 = tpu.memref_slice %arg2[%add3A_6, %dma_wait3A_83] : memref<65536x128xf16, #tpu.memory_space<hbm>> -> memref<512x128xf16, #tpu.memory_space<hbm>>
    %dma_wait3A_85 = arith.constant 0 : i32
    %dma_wait3A_86 = tpu.memref_slice %arg2[%add3A_6, %dma_wait3A_85] : memref<65536x128xf16, #tpu.memory_space<hbm>> -> memref<512x128xf16, #tpu.memory_space<hbm>>
    tpu.wait_dma2 semaphore(%arg10 : memref<!tpu.dma_semaphore, #tpu.memory_space<semaphore_mem>>) src(%dma_wait3A_86 : memref<512x128xf16, #tpu.memory_space<hbm>>) dst(%arg7 : memref<512x128xf16, #tpu.memory_space<vmem>>)
    %dma_start3A_87 = arith.constant 0 : i32
    %dma_start3A_88 = tpu.memref_slice %arg4[%add3A_6, %dma_start3A_87] : memref<65536x128xf16, #tpu.memory_space<hbm>> -> memref<512x128xf16, #tpu.memory_space<hbm>>
    %dma_start3A_89 = arith.constant 0 : i32
    %dma_start3A_90 = tpu.memref_slice %arg4[%add3A_6, %dma_start3A_89] : memref<65536x128xf16, #tpu.memory_space<hbm>> -> memref<512x128xf16, #tpu.memory_space<hbm>>
    tpu.enqueue_dma source(%arg7 : memref<512x128xf16, #tpu.memory_space<vmem>>) target(%dma_start3A_90 : memref<512x128xf16, #tpu.memory_space<hbm>>) target_semaphore(%arg12 : memref<!tpu.dma_semaphore, #tpu.memory_space<semaphore_mem>>)
    %dma_wait3A_91 = arith.constant 1 : i32
    %dma_wait3A_92 = arith.constant 0 : i32
    %dma_wait3A_93 = arith.constant 0 : i32
    %dma_wait3A_94 = tpu.memref_slice %arg8[%arg1, %dma_wait3A_91, %dma_wait3A_92, %dma_wait3A_93] : memref<16x2x512x128xf16, #tpu.memory_space<vmem_shared>> -> memref<1x1x512x128xf16, #tpu.memory_space<vmem_shared>>
    %dma_wait3A_95 = tpu.memref_squeeze %dma_wait3A_94 : memref<1x1x512x128xf16, #tpu.memory_space<vmem_shared>> -> memref<512x128xf16, #tpu.memory_space<vmem_shared>>
    %dma_wait3A_96 = arith.constant 0 : i32
    %dma_wait3A_97 = tpu.memref_slice %arg2[%add3A_14, %dma_wait3A_96] : memref<65536x128xf16, #tpu.memory_space<hbm>> -> memref<512x128xf16, #tpu.memory_space<hbm>>
    tpu.wait_dma2 semaphore(%arg14 : memref<!tpu.dma_semaphore, #tpu.memory_space<semaphore_mem>>) src(%dma_wait3A_97 : memref<512x128xf16, #tpu.memory_space<hbm>>) dst(%dma_wait3A_95 : memref<512x128xf16, #tpu.memory_space<vmem_shared>>)
    %dma_start3A_98 = arith.constant 1 : i32
    %dma_start3A_99 = arith.constant 0 : i32
    %dma_start3A_100 = tpu.memref_slice %arg4[%add3A_14, %dma_start3A_99] : memref<65536x128xf16, #tpu.memory_space<hbm>> -> memref<512x128xf16, #tpu.memory_space<hbm>>
    %dma_start3A_101 = arith.constant 0 : i32
    %dma_start3A_102 = arith.constant 0 : i32
    %dma_start3A_103 = tpu.memref_slice %arg8[%arg1, %dma_start3A_98, %dma_start3A_101, %dma_start3A_102] : memref<16x2x512x128xf16, #tpu.memory_space<vmem_shared>> -> memref<1x1x512x128xf16, #tpu.memory_space<vmem_shared>>
    %dma_start3A_104 = tpu.memref_squeeze %dma_start3A_103 : memref<1x1x512x128xf16, #tpu.memory_space<vmem_shared>> -> memref<512x128xf16, #tpu.memory_space<vmem_shared>>
    tpu.enqueue_dma source(%dma_start3A_104 : memref<512x128xf16, #tpu.memory_space<vmem_shared>>) target(%dma_start3A_100 : memref<512x128xf16, #tpu.memory_space<hbm>>) target_semaphore(%arg16 : memref<!tpu.dma_semaphore, #tpu.memory_space<semaphore_mem>>)
    %dma_wait3A_105 = arith.constant 0 : i32
    %dma_wait3A_106 = tpu.memref_slice %arg4[%add3A_6, %dma_wait3A_105] : memref<65536x128xf16, #tpu.memory_space<hbm>> -> memref<512x128xf16, #tpu.memory_space<hbm>>
    %dma_wait3A_107 = arith.constant 0 : i32
    %dma_wait3A_108 = tpu.memref_slice %arg4[%add3A_6, %dma_wait3A_107] : memref<65536x128xf16, #tpu.memory_space<hbm>> -> memref<512x128xf16, #tpu.memory_space<hbm>>
    tpu.wait_dma2 semaphore(%arg12 : memref<!tpu.dma_semaphore, #tpu.memory_space<semaphore_mem>>) src(%arg7 : memref<512x128xf16, #tpu.memory_space<vmem>>) dst(%dma_wait3A_108 : memref<512x128xf16, #tpu.memory_space<hbm>>)
    %dma_start3A_109 = arith.constant 0 : i32
    %dma_start3A_110 = tpu.memref_slice %arg3[%add3A_10, %dma_start3A_109] : memref<65536x128xf16, #tpu.memory_space<hbm>> -> memref<512x128xf16, #tpu.memory_space<hbm>>
    %dma_start3A_111 = arith.constant 0 : i32
    %dma_start3A_112 = tpu.memref_slice %arg3[%add3A_10, %dma_start3A_111] : memref<65536x128xf16, #tpu.memory_space<hbm>> -> memref<512x128xf16, #tpu.memory_space<hbm>>
    tpu.enqueue_dma source(%dma_start3A_112 : memref<512x128xf16, #tpu.memory_space<hbm>>) target(%arg7 : memref<512x128xf16, #tpu.memory_space<vmem>>) target_semaphore(%arg10 : memref<!tpu.dma_semaphore, #tpu.memory_space<semaphore_mem>>)
    %dma_wait3A_113 = arith.constant 1 : i32
    %dma_wait3A_114 = arith.constant 0 : i32
    %dma_wait3A_115 = tpu.memref_slice %arg4[%add3A_14, %dma_wait3A_114] : memref<65536x128xf16, #tpu.memory_space<hbm>> -> memref<512x128xf16, #tpu.memory_space<hbm>>
    %dma_wait3A_116 = arith.constant 0 : i32
    %dma_wait3A_117 = arith.constant 0 : i32
    %dma_wait3A_118 = tpu.memref_slice %arg8[%arg1, %dma_wait3A_113, %dma_wait3A_116, %dma_wait3A_117] : memref<16x2x512x128xf16, #tpu.memory_space<vmem_shared>> -> memref<1x1x512x128xf16, #tpu.memory_space<vmem_shared>>
    %dma_wait3A_119 = tpu.memref_squeeze %dma_wait3A_118 : memref<1x1x512x128xf16, #tpu.memory_space<vmem_shared>> -> memref<512x128xf16, #tpu.memory_space<vmem_shared>>
    tpu.wait_dma2 semaphore(%arg16 : memref<!tpu.dma_semaphore, #tpu.memory_space<semaphore_mem>>) src(%dma_wait3A_119 : memref<512x128xf16, #tpu.memory_space<vmem_shared>>) dst(%dma_wait3A_115 : memref<512x128xf16, #tpu.memory_space<hbm>>)
    %dma_start3A_120 = arith.constant 1 : i32
    %dma_start3A_121 = arith.constant 0 : i32
    %dma_start3A_122 = arith.constant 0 : i32
    %dma_start3A_123 = tpu.memref_slice %arg8[%arg1, %dma_start3A_120, %dma_start3A_121, %dma_start3A_122] : memref<16x2x512x128xf16, #tpu.memory_space<vmem_shared>> -> memref<1x1x512x128xf16, #tpu.memory_space<vmem_shared>>
    %dma_start3A_124 = tpu.memref_squeeze %dma_start3A_123 : memref<1x1x512x128xf16, #tpu.memory_space<vmem_shared>> -> memref<512x128xf16, #tpu.memory_space<vmem_shared>>
    %dma_start3A_125 = arith.constant 0 : i32
    %dma_start3A_126 = tpu.memref_slice %arg3[%add3A_18, %dma_start3A_125] : memref<65536x128xf16, #tpu.memory_space<hbm>> -> memref<512x128xf16, #tpu.memory_space<hbm>>
    tpu.enqueue_dma source(%dma_start3A_126 : memref<512x128xf16, #tpu.memory_space<hbm>>) target(%dma_start3A_124 : memref<512x128xf16, #tpu.memory_space<vmem_shared>>) target_semaphore(%arg14 : memref<!tpu.dma_semaphore, #tpu.memory_space<semaphore_mem>>)
    %dma_wait3A_127 = arith.constant 0 : i32
    %dma_wait3A_128 = tpu.memref_slice %arg3[%add3A_8, %dma_wait3A_127] : memref<65536x128xf16, #tpu.memory_space<hbm>> -> memref<512x128xf16, #tpu.memory_space<hbm>>
    %dma_wait3A_129 = arith.constant 0 : i32
    %dma_wait3A_130 = tpu.memref_slice %arg3[%add3A_8, %dma_wait3A_129] : memref<65536x128xf16, #tpu.memory_space<hbm>> -> memref<512x128xf16, #tpu.memory_space<hbm>>
    tpu.wait_dma2 semaphore(%arg9 : memref<!tpu.dma_semaphore, #tpu.memory_space<semaphore_mem>>) src(%dma_wait3A_130 : memref<512x128xf16, #tpu.memory_space<hbm>>) dst(%arg6 : memref<512x128xf16, #tpu.memory_space<vmem>>)
    %dma_start3A_131 = arith.constant 0 : i32
    %dma_start3A_132 = tpu.memref_slice %arg5[%add3A_8, %dma_start3A_131] : memref<65536x128xf16, #tpu.memory_space<hbm>> -> memref<512x128xf16, #tpu.memory_space<hbm>>
    %dma_start3A_133 = arith.constant 0 : i32
    %dma_start3A_134 = tpu.memref_slice %arg5[%add3A_8, %dma_start3A_133] : memref<65536x128xf16, #tpu.memory_space<hbm>> -> memref<512x128xf16, #tpu.memory_space<hbm>>
    tpu.enqueue_dma source(%arg6 : memref<512x128xf16, #tpu.memory_space<vmem>>) target(%dma_start3A_134 : memref<512x128xf16, #tpu.memory_space<hbm>>) target_semaphore(%arg11 : memref<!tpu.dma_semaphore, #tpu.memory_space<semaphore_mem>>)
    %dma_wait3A_135 = arith.constant 0 : i32
    %dma_wait3A_136 = arith.constant 0 : i32
    %dma_wait3A_137 = arith.constant 0 : i32
    %dma_wait3A_138 = tpu.memref_slice %arg8[%arg1, %dma_wait3A_135, %dma_wait3A_136, %dma_wait3A_137] : memref<16x2x512x128xf16, #tpu.memory_space<vmem_shared>> -> memref<1x1x512x128xf16, #tpu.memory_space<vmem_shared>>
    %dma_wait3A_139 = tpu.memref_squeeze %dma_wait3A_138 : memref<1x1x512x128xf16, #tpu.memory_space<vmem_shared>> -> memref<512x128xf16, #tpu.memory_space<vmem_shared>>
    %dma_wait3A_140 = arith.constant 0 : i32
    %dma_wait3A_141 = tpu.memref_slice %arg3[%add3A_16, %dma_wait3A_140] : memref<65536x128xf16, #tpu.memory_space<hbm>> -> memref<512x128xf16, #tpu.memory_space<hbm>>
    tpu.wait_dma2 semaphore(%arg13 : memref<!tpu.dma_semaphore, #tpu.memory_space<semaphore_mem>>) src(%dma_wait3A_141 : memref<512x128xf16, #tpu.memory_space<hbm>>) dst(%dma_wait3A_139 : memref<512x128xf16, #tpu.memory_space<vmem_shared>>)
    %dma_start3A_142 = arith.constant 0 : i32
    %dma_start3A_143 = arith.constant 0 : i32
    %dma_start3A_144 = tpu.memref_slice %arg5[%add3A_16, %dma_start3A_143] : memref<65536x128xf16, #tpu.memory_space<hbm>> -> memref<512x128xf16, #tpu.memory_space<hbm>>
    %dma_start3A_145 = arith.constant 0 : i32
    %dma_start3A_146 = arith.constant 0 : i32
    %dma_start3A_147 = tpu.memref_slice %arg8[%arg1, %dma_start3A_142, %dma_start3A_145, %dma_start3A_146] : memref<16x2x512x128xf16, #tpu.memory_space<vmem_shared>> -> memref<1x1x512x128xf16, #tpu.memory_space<vmem_shared>>
    %dma_start3A_148 = tpu.memref_squeeze %dma_start3A_147 : memref<1x1x512x128xf16, #tpu.memory_space<vmem_shared>> -> memref<512x128xf16, #tpu.memory_space<vmem_shared>>
    tpu.enqueue_dma source(%dma_start3A_148 : memref<512x128xf16, #tpu.memory_space<vmem_shared>>) target(%dma_start3A_144 : memref<512x128xf16, #tpu.memory_space<hbm>>) target_semaphore(%arg15 : memref<!tpu.dma_semaphore, #tpu.memory_space<semaphore_mem>>)
    %dma_wait3A_149 = arith.constant 0 : i32
    %dma_wait3A_150 = tpu.memref_slice %arg3[%add3A_10, %dma_wait3A_149] : memref<65536x128xf16, #tpu.memory_space<hbm>> -> memref<512x128xf16, #tpu.memory_space<hbm>>
    %dma_wait3A_151 = arith.constant 0 : i32
    %dma_wait3A_152 = tpu.memref_slice %arg3[%add3A_10, %dma_wait3A_151] : memref<65536x128xf16, #tpu.memory_space<hbm>> -> memref<512x128xf16, #tpu.memory_space<hbm>>
    tpu.wait_dma2 semaphore(%arg10 : memref<!tpu.dma_semaphore, #tpu.memory_space<semaphore_mem>>) src(%dma_wait3A_152 : memref<512x128xf16, #tpu.memory_space<hbm>>) dst(%arg7 : memref<512x128xf16, #tpu.memory_space<vmem>>)
    %dma_start3A_153 = arith.constant 0 : i32
    %dma_start3A_154 = tpu.memref_slice %arg5[%add3A_10, %dma_start3A_153] : memref<65536x128xf16, #tpu.memory_space<hbm>> -> memref<512x128xf16, #tpu.memory_space<hbm>>
    %dma_start3A_155 = arith.constant 0 : i32
    %dma_start3A_156 = tpu.memref_slice %arg5[%add3A_10, %dma_start3A_155] : memref<65536x128xf16, #tpu.memory_space<hbm>> -> memref<512x128xf16, #tpu.memory_space<hbm>>
    tpu.enqueue_dma source(%arg7 : memref<512x128xf16, #tpu.memory_space<vmem>>) target(%dma_start3A_156 : memref<512x128xf16, #tpu.memory_space<hbm>>) target_semaphore(%arg12 : memref<!tpu.dma_semaphore, #tpu.memory_space<semaphore_mem>>)
    %dma_wait3A_157 = arith.constant 1 : i32
    %dma_wait3A_158 = arith.constant 0 : i32
    %dma_wait3A_159 = arith.constant 0 : i32
    %dma_wait3A_160 = tpu.memref_slice %arg8[%arg1, %dma_wait3A_157, %dma_wait3A_158, %dma_wait3A_159] : memref<16x2x512x128xf16, #tpu.memory_space<vmem_shared>> -> memref<1x1x512x128xf16, #tpu.memory_space<vmem_shared>>
    %dma_wait3A_161 = tpu.memref_squeeze %dma_wait3A_160 : memref<1x1x512x128xf16, #tpu.memory_space<vmem_shared>> -> memref<512x128xf16, #tpu.memory_space<vmem_shared>>
    %dma_wait3A_162 = arith.constant 0 : i32
    %dma_wait3A_163 = tpu.memref_slice %arg3[%add3A_18, %dma_wait3A_162] : memref<65536x128xf16, #tpu.memory_space<hbm>> -> memref<512x128xf16, #tpu.memory_space<hbm>>
    tpu.wait_dma2 semaphore(%arg14 : memref<!tpu.dma_semaphore, #tpu.memory_space<semaphore_mem>>) src(%dma_wait3A_163 : memref<512x128xf16, #tpu.memory_space<hbm>>) dst(%dma_wait3A_161 : memref<512x128xf16, #tpu.memory_space<vmem_shared>>)
    %dma_start3A_164 = arith.constant 1 : i32
    %dma_start3A_165 = arith.constant 0 : i32
    %dma_start3A_166 = tpu.memref_slice %arg5[%add3A_18, %dma_start3A_165] : memref<65536x128xf16, #tpu.memory_space<hbm>> -> memref<512x128xf16, #tpu.memory_space<hbm>>
    %dma_start3A_167 = arith.constant 0 : i32
    %dma_start3A_168 = arith.constant 0 : i32
    %dma_start3A_169 = tpu.memref_slice %arg8[%arg1, %dma_start3A_164, %dma_start3A_167, %dma_start3A_168] : memref<16x2x512x128xf16, #tpu.memory_space<vmem_shared>> -> memref<1x1x512x128xf16, #tpu.memory_space<vmem_shared>>
    %dma_start3A_170 = tpu.memref_squeeze %dma_start3A_169 : memref<1x1x512x128xf16, #tpu.memory_space<vmem_shared>> -> memref<512x128xf16, #tpu.memory_space<vmem_shared>>
    tpu.enqueue_dma source(%dma_start3A_170 : memref<512x128xf16, #tpu.memory_space<vmem_shared>>) target(%dma_start3A_166 : memref<512x128xf16, #tpu.memory_space<hbm>>) target_semaphore(%arg16 : memref<!tpu.dma_semaphore, #tpu.memory_space<semaphore_mem>>)
    %dma_wait3A_171 = arith.constant 0 : i32
    %dma_wait3A_172 = tpu.memref_slice %arg5[%add3A_8, %dma_wait3A_171] : memref<65536x128xf16, #tpu.memory_space<hbm>> -> memref<512x128xf16, #tpu.memory_space<hbm>>
    %dma_wait3A_173 = arith.constant 0 : i32
    %dma_wait3A_174 = tpu.memref_slice %arg5[%add3A_8, %dma_wait3A_173] : memref<65536x128xf16, #tpu.memory_space<hbm>> -> memref<512x128xf16, #tpu.memory_space<hbm>>
    tpu.wait_dma2 semaphore(%arg11 : memref<!tpu.dma_semaphore, #tpu.memory_space<semaphore_mem>>) src(%arg6 : memref<512x128xf16, #tpu.memory_space<vmem>>) dst(%dma_wait3A_174 : memref<512x128xf16, #tpu.memory_space<hbm>>)
    %dma_wait3A_175 = arith.constant 0 : i32
    %dma_wait3A_176 = arith.constant 0 : i32
    %dma_wait3A_177 = tpu.memref_slice %arg5[%add3A_16, %dma_wait3A_176] : memref<65536x128xf16, #tpu.memory_space<hbm>> -> memref<512x128xf16, #tpu.memory_space<hbm>>
    %dma_wait3A_178 = arith.constant 0 : i32
    %dma_wait3A_179 = arith.constant 0 : i32
    %dma_wait3A_180 = tpu.memref_slice %arg8[%arg1, %dma_wait3A_175, %dma_wait3A_178, %dma_wait3A_179] : memref<16x2x512x128xf16, #tpu.memory_space<vmem_shared>> -> memref<1x1x512x128xf16, #tpu.memory_space<vmem_shared>>
    %dma_wait3A_181 = tpu.memref_squeeze %dma_wait3A_180 : memref<1x1x512x128xf16, #tpu.memory_space<vmem_shared>> -> memref<512x128xf16, #tpu.memory_space<vmem_shared>>
    tpu.wait_dma2 semaphore(%arg15 : memref<!tpu.dma_semaphore, #tpu.memory_space<semaphore_mem>>) src(%dma_wait3A_181 : memref<512x128xf16, #tpu.memory_space<vmem_shared>>) dst(%dma_wait3A_177 : memref<512x128xf16, #tpu.memory_space<hbm>>)
    %dma_wait3A_182 = arith.constant 0 : i32
    %dma_wait3A_183 = tpu.memref_slice %arg5[%add3A_10, %dma_wait3A_182] : memref<65536x128xf16, #tpu.memory_space<hbm>> -> memref<512x128xf16, #tpu.memory_space<hbm>>
    %dma_wait3A_184 = arith.constant 0 : i32
    %dma_wait3A_185 = tpu.memref_slice %arg5[%add3A_10, %dma_wait3A_184] : memref<65536x128xf16, #tpu.memory_space<hbm>> -> memref<512x128xf16, #tpu.memory_space<hbm>>
    tpu.wait_dma2 semaphore(%arg12 : memref<!tpu.dma_semaphore, #tpu.memory_space<semaphore_mem>>) src(%arg7 : memref<512x128xf16, #tpu.memory_space<vmem>>) dst(%dma_wait3A_185 : memref<512x128xf16, #tpu.memory_space<hbm>>)
    %dma_wait3A_186 = arith.constant 1 : i32
    %dma_wait3A_187 = arith.constant 0 : i32
    %dma_wait3A_188 = tpu.memref_slice %arg5[%add3A_18, %dma_wait3A_187] : memref<65536x128xf16, #tpu.memory_space<hbm>> -> memref<512x128xf16, #tpu.memory_space<hbm>>
    %dma_wait3A_189 = arith.constant 0 : i32
    %dma_wait3A_190 = arith.constant 0 : i32
    %dma_wait3A_191 = tpu.memref_slice %arg8[%arg1, %dma_wait3A_186, %dma_wait3A_189, %dma_wait3A_190] : memref<16x2x512x128xf16, #tpu.memory_space<vmem_shared>> -> memref<1x1x512x128xf16, #tpu.memory_space<vmem_shared>>
    %dma_wait3A_192 = tpu.memref_squeeze %dma_wait3A_191 : memref<1x1x512x128xf16, #tpu.memory_space<vmem_shared>> -> memref<512x128xf16, #tpu.memory_space<vmem_shared>>
    tpu.wait_dma2 semaphore(%arg16 : memref<!tpu.dma_semaphore, #tpu.memory_space<semaphore_mem>>) src(%dma_wait3A_192 : memref<512x128xf16, #tpu.memory_space<vmem_shared>>) dst(%dma_wait3A_188 : memref<512x128xf16, #tpu.memory_space<hbm>>)
    return
  }
}

</mosaic_0001>

<sc_bundles>
// kernel: kernel.3.cloned.1.call-start
scs
__scs_entry_jumppad:
0x0: {  	(pc) =	sbr.rel $0x88, $3  }
0x1: {  	(tag) =	ssettag $0x0;
	lr =	simm.s32 $0x1  }
0x2: {  	[smem:$0x3F9F] =	sst lr;
	_ =	strace $0xD0000000  }
0x3: {  	_ = 	snop  }
0x4: {  	_ = 	snop  }
0x5: {  	_ = 	snop  }
0x6: {  	_ = 	snop  }
0x7: {  	_ = 	snop  }
__scs_overlays_trampoline_lowered:
0x8: {  	[smem:$0x3FAE] =	sst s0  }
0x9: {  	[smem:$0x3FAF] =	sst s1  }
0xa: {  	[smem:$0x3FB0] =	sst s2  }
0xb: {  	[smem:$0x3FB1] =	sst s3  }
0xc: {  	[smem:$0x3FB2] =	sst s4  }
0xd: {  	[smem:$0x3FB3] =	sst s5  }
0xe: {  	[smem:$0x3FB4] =	sst s6  }
0xf: {  	[smem:$0x3FB5] =	sst s7  }
0x10: {  	[smem:$0x3FB6] =	sst s8  }
0x11: {  	[smem:$0x3FB7] =	sst s9;
	s0 =	simm.s32 @!p0 $0x0  }
0x12: {  	s1 =	sld [smem:$0x3F9D];
	s0 =	simm.s32 @p0 $0x1  }
0x13: {  	[smem:$0x3FB8] =	sst s0;
	s0 =	simm.s32 @!p1 $0x0  }
0x14: {  	s2 =	sld [smem:$0x3F9C];
	s0 =	simm.s32 @p1 $0x1  }
0x15: {  	[smem:$0x3FB9] =	sst s0;
	s0 =	simm.s32 @!p2 $0x0  }
0x16: {  	s3 =	sld [smem:$0x3FDB];
	s0 =	simm.s32 @p2 $0x1  }
0x17: {  	s4 =	simm.s32 $0x1BF5;
	[smem:$0x3FBB] =	sst s0  }
0x18: {  	s0 =	sld [smem:$0x3F9E];
	_ =	swait.ge [sflag:s4], $0x0  }
0x19: {  	s7 =	sld [smem:$0x3F9F]  }
0x1a: {  	s8 =	sadd.s32 $0xFFFFE003, lr  }
0x1b: {  	s9 =	sadd.s32 $0xFFFFFEF7, lr;
	s5 =	simm.s32 $0xFFFFFFFF;
	p2 =	slt.u32 s8, $0xFFFFF086  }
0x1c: {  	p1 =	slt.u32 s9, $0xF7A;
	s5 =	simm.s32 @!p2 $0x0  }
0x1d: {  	s5 =	simm.s32 @p1 $0x1;
	p0 =	seq.s32 s7, s2  }
0x1e: {  	s7 =	smul.u32 @!p0 $0xF7A, s2;
	p2 =	seq.s32 @!p0 s5, $0x0  }
0x1f: {  	s9 =	smul.u32 $0xF7A, s1;
	s8 =	simm.s32 @!p0 $0x1BF5;
	p2 =	por !p2, p0  }
0x20: {  	[sflag:s8] =	ssyncset.s32 @!p0 $0xFFFFF086;
	s6 =	sadd.s32 @!p0 s3, s7;
	s7 =	simm.s32 @!p0 $0x108  }
0x21: {  	s3 =	sadd.s32 s3, s9;
	s6 =	sadd.s32 @!p0 $0x88, s6;
	s7 =	simm.s32 @p2 $0x1082  }
0x22: {  	[simem:s7], [sflag:s8] =	dma.local @!p0 [hbm:s6], $0xF7A  }
0x23: {  	s9 =	sor.u32 $0xD0000000, s2;
	s6 =	simm.s32 $0x108;
	_ =	swait.ge @!p0 [sflag:s8], $0x0  }
0x24: {  	s3 =	sadd.s32 $0x88, s3;
	s6 =	simm.s32 @!p1 $0x1082;
	[sflag:s4] =	ssyncset.s32 $0xFFFFF086  }
0x25: {  	[simem:s6], [sflag:s4] =	dma.local [hbm:s3], $0xF7A  }
0x26: {  	[smem:$0x3F9F] =	sst s1;
	(tag) =	ssettag s2;
	_ =	strace s9  }
0x27: {  	s1 =	sld [smem:$0x3FAF]  }
0x28: {  	s2 =	sld [smem:$0x3FB0]  }
0x29: {  	s4 =	sld [smem:$0x3FB2]  }
0x2a: {  	p0 =	seq.s32 s5, $0x0;
	s5 =	sld [smem:$0x3FB3]  }
0x2b: {  	s6 =	sld [smem:$0x3FB4]  }
0x2c: {  	s7 =	sld [smem:$0x3FB5]  }
0x2d: {  	s3 =	simm.s32 $0x108;
	s8 =	sld [smem:$0x3FB6]  }
0x2e: {  	s3 =	simm.s32 @!p0 $0x1082;
	s9 =	sld [smem:$0x3FB7]  }
0x2f: {  	lr =	sadd.s32 s0, s3;
	s0 =	sld [smem:$0x3FAE]  }
0x30: {  	s3 =	sld [smem:$0x3FB1]  }
0x31: {  	[smem:$0x3FBA] =	sst s10  }
0x32: {  	s10 =	sld [smem:$0x3FB8];
	_ =	sdelay $0x3  }
0x33: {  	p0 =	seq.s32 s10, $0x1;
	s10 =	sld [smem:$0x3FBA];
	_ =	sdelay $0x3  }
0x34: {  	[smem:$0x3FBA] =	sst s10  }
0x35: {  	s10 =	sld [smem:$0x3FB9];
	_ =	sdelay $0x3  }
0x36: {  	p1 =	seq.s32 s10, $0x1;
	s10 =	sld [smem:$0x3FBA];
	_ =	sdelay $0x3  }
0x37: {  	[smem:$0x3FBA] =	sst s10  }
0x38: {  	s10 =	sld [smem:$0x3FBB]  }
0x39: {  	_ = 	snop;
	(pc) =	sbr.ind lr, $3  }
0x3a: {  	_ = 	snop  }
0x3b: {  	_ = 	snop  }
0x3c: {  	p2 =	seq.s32 s10, $0x1;
	s10 =	sld [smem:$0x3FBA]  }
0x3d: {  	_ =	shalt  }
0x3e: {  	_ =	shalt  }
0x3f: {  	_ =	shalt  }
0x40: {  	_ =	shalt  }
0x41: {  	_ =	shalt  }
0x42: {  	_ =	shalt  }
0x43: {  	_ =	shalt  }
0x44: {  	_ =	shalt  }
0x45: {  	_ =	shalt  }
0x46: {  	_ =	shalt  }
0x47: {  	_ =	shalt  }
0x48: {  	_ =	shalt  }
0x49: {  	_ =	shalt  }
0x4a: {  	_ =	shalt  }
0x4b: {  	_ =	shalt  }
0x4c: {  	_ =	shalt  }
0x4d: {  	_ =	shalt  }
0x4e: {  	_ =	shalt  }
0x4f: {  	_ =	shalt  }
0x50: {  	_ =	shalt  }
0x51: {  	_ =	shalt  }
0x52: {  	_ =	shalt  }
0x53: {  	_ =	shalt  }
0x54: {  	_ =	shalt  }
0x55: {  	_ =	shalt  }
0x56: {  	_ =	shalt  }
0x57: {  	_ =	shalt  }
0x58: {  	_ =	shalt  }
0x59: {  	_ =	shalt  }
0x5a: {  	_ =	shalt  }
0x5b: {  	_ =	shalt  }
0x5c: {  	_ =	shalt  }
0x5d: {  	_ =	shalt  }
0x5e: {  	_ =	shalt  }
0x5f: {  	_ =	shalt  }
0x60: {  	_ =	shalt  }
0x61: {  	_ =	shalt  }
0x62: {  	_ =	shalt  }
0x63: {  	_ =	shalt  }
0x64: {  	_ =	shalt  }
0x65: {  	_ =	shalt  }
0x66: {  	_ =	shalt  }
0x67: {  	_ =	shalt  }
0x68: {  	_ =	shalt  }
0x69: {  	_ =	shalt  }
0x6a: {  	_ =	shalt  }
0x6b: {  	_ =	shalt  }
0x6c: {  	_ =	shalt  }
0x6d: {  	_ =	shalt  }
0x6e: {  	_ =	shalt  }
0x6f: {  	_ =	shalt  }
0x70: {  	_ =	shalt  }
0x71: {  	_ =	shalt  }
0x72: {  	_ =	shalt  }
0x73: {  	_ =	shalt  }
0x74: {  	_ =	shalt  }
0x75: {  	_ =	shalt  }
0x76: {  	_ =	shalt  }
0x77: {  	_ =	shalt  }
0x78: {  	_ =	shalt  }
0x79: {  	_ =	shalt  }
0x7a: {  	_ =	shalt  }
0x7b: {  	_ =	shalt  }
0x7c: {  	_ =	shalt  }
0x7d: {  	_ =	shalt  }
0x7e: {  	_ =	shalt  }
0x7f: {  	_ =	shalt  }
0x80: {  	_ =	shalt  }
0x81: {  	_ =	shalt  }
0x82: {  	_ =	shalt  }
0x83: {  	_ =	shalt  }
0x84: {  	_ =	shalt  }
0x85: {  	_ =	shalt  }
0x86: {  	_ =	shalt  }
0x87: {  	_ =	shalt  }
.Lfunc_end0:
.L_simem_size_0:
called_computation_lowered:
.L_overlay_start_0:
0x88: {  	s2 =	sld [smem:$0x3FD9]  }
0x89: {  	s3 =	sld [smem:$0x3FFE];
	_ =	sdelay $0x1  }
0x8a: {  	s1 =	srdreg.scid  }
0x8b: {  	s0 =	sand.u32 $0x1, s1  }
0x8c: {  	s15 =	sshll.u32 s0, $0xA;
	s2 =	sadd.s32 s3, s2  }
0x8d: {  	s2 =	sadd.s32 s2, s15  }
0x8e: {  	[smem:$0x3FC6] =	sst s2  }
0x8f: {  	_ = 	snop  }
0x90: {  	s2 =	sld [smem:$0x3FD0];
	_ =	sdelay $0x1  }
0x91: {  	s16 =	sld [smem:$0x3FC9]  }
0x92: {  	s5 =	simm.s32 $0xA;
	s6 =	simm.s32 $0x10;
	s4 =	sld [smem:$0x3FC8]  }
0x93: {  	[smem:s6], [sflag:s5] =	dma.local [hbm:s2], $0x1  }
0x94: {  	_ =	swait.eq [sflag:s5], $0x1  }
0x95: {  	[sflag:s5] =	ssyncset.done $0x0  }
0x96: {  	s17 =	sld [smem:$0x10];
	[sflag:s5] =	ssyncadd.s32 $0xFFFFFFFF  }
0x97: {  	s18 =	sld [smem:$0x11];
	(tm) =	ssettm $0x1  }
0x98: {  	s19 =	sld [smem:$0x3FFB];
	_ =	sdelay $0x3  }
0x99: {  	_ =	strace s19  }
0x9a: {  	s6 =	sld [smem:$0x3FFC];
	_ =	sdelay $0x3  }
0x9b: {  	_ =	strace s6  }
0x9c: {  	s6 =	sld [smem:$0x3FFD];
	_ =	sdelay $0x3  }
0x9d: {  	_ =	strace s6  }
0x9e: {  	_ =	strace $0x8FFFFFFF  }
0x9f: {  	s20 =	sld [smem:$0x3FDB];
	_ =	sdelay $0x1  }
0xa0: {  	s7 =	simm.s32 $_scs_section_size  }
0xa1: {  	s8 =	simm.s32 $_size__tile_overlayer_lowered;
	s9 =	simm.s32 $_tile_overlayer_lowered  }
0xa2: {  	s23 =	simm.s32 $0x1BFF;
	s22 =	sshll.u32 s9, $0x1;
	s6 =	sadd.s32 s7, s20  }
0xa3: {  	s10 =	simm.s32 $0x0;
	s21 =	sshll.u32 s8, $0x1;
	s8 =	sadd.s32 s22, s6  }
0xa4: {  	[timem:s10], [sflag:s23] =	dma.local [hbm:s8], s21  }
0xa5: {  	_ =	swait.ge [sflag:s23], s21  }
0xa6: {  	s7 =	ssub.s32 $0x0, s21;
	[sflag:s23] =	ssyncset.done $0x0  }
0xa7: {  	[sflag:s23] =	ssyncadd.s32 s7;
	_ =	sdelay $0x1  }
0xa8: {  	s24 =	simm.s32 $0x1B8B  }
0xa9: {  	_ =	swait.ge [sflag:s24], $0x1  }
0xaa: {  	[sflag:s24] =	ssyncset.done $0x0  }
0xab: {  	s25 =	simm.s32 $0x1B8E;
	[sflag:s24] =	ssyncadd.s32 $0xFFFFFFFF  }
0xac: {  	s26 =	simm.s32 $execute0_lowered;
	[smem:$0x3FD2] =	sst s25  }
0xad: {  	s7 =	sshll.u32 s26, $0x1;
	_ =	strace $0x80000046;
	[dreg:$0x1] =	wrdreg $0xFFFFFFFF  }
0xae: {  	s28 =	simm.s32 $_size_execute0_lowered;
	s6 =	sadd.s32 s6, s7;
	[dreg:$0x0] =	wrdreg $0x0  }
0xaf: {  	s7 =	sshll.u32 s28, $0x1;
	[dreg:$0x2] =	wrdreg s6  }
0xb0: {  	[dreg:$0x3] =	wrdreg s7  }
0xb1: {  	[dreg:$0x4] =	wrdreg $0xC0  }
0xb2: {  	_ =	task [dreg:s10], $0x5FFFF  }
0xb3: {  	[dreg:$0x1] =	wrdreg $0xFFFFFFFF  }
0xb4: {  	[dreg:$0x0] =	wrdreg $0x60  }
0xb5: {  	[dreg:$0x2] =	wrdreg s16  }
0xb6: {  	[dreg:$0x3] =	wrdreg s4  }
0xb7: {  	[dreg:$0x4] =	wrdreg s17  }
0xb8: {  	[dreg:$0x5] =	wrdreg s18  }
0xb9: {  	[dreg:$0x6] =	wrdreg $0x100000  }
0xba: {  	[dreg:$0x7] =	wrdreg $0x9  }
0xbb: {  	_ =	task.clear_ibuf [dreg:s10], $0x8FFFF;
	_ =	strace $0x90000046  }
0xbc: {  	s29 =	simm.s32 $0x9;
	_ =	strace $0x80000048  }
0xbd: {  	_ =	swait.ge [sflag:s29], $0x1  }
0xbe: {  	[sflag:s29] =	ssyncadd.s32 $0xFFFFFFFF  }
0xbf: {  	_ =	strace $0x90000048  }
0xc0: {  	_ =	sfence  }
0xc1: {  	s30 =	sld [smem:$0x0];
	_ =	sdelay $0x2  }
0xc2: {  	s31 =	sshll.u32 s1, $0xD;
	s1 =	sshrl.u32 s1, $0x2  }
0xc3: {  	s3 =	sand.u32 $0x4000, s31;
	s1 =	sadd.s32 s1, s30  }
0xc4: {  	s0 =	sor.u32 s3, s0;
	s1 =	sshll.u32 s1, $0x11  }
0xc5: {  	s0 =	sor.u32 s1, s0  }
0xc6: {  	s0 =	sadd.s32 $0x8F2B, s0  }
0xc7: {  	[sflag:s0] =	ssyncadd.remote.s32 $0x1  }
0xc8: {  	_ =	sfence.sel $0xFFFF  }
0xc9: {  	[dreg:$0x0] =	wrdreg $0xFFFFFFFF;
	(pc) =	sbr.abs _section_cstart, $3  }
0xca: {  	[dreg:$0x1] =	wrdreg $0xFFFFFFFF  }
0xcb: {  	_ =	task.clear_ibuf [dreg:s10], $0x2FFFF;
	_ =	strace $0x9FFFFFFF  }
0xcc: {  	(tm) =	ssettm $0x7FFFFFFF  }
0xcd: {  	_ =	shalt  }
tec
execute0_lowered:
.L_overlay_start_1:
0x0: {  	(tag) =	ssettag $0x1  }
0x1: {  	s3 =	rddreg [dreg:$0x0]  }
0x2: {  	s24 =	rddreg [dreg:$0x1]  }
0x3: {  	s19 =	rddreg [dreg:$0x2];
	s2 =	srdreg.scid  }
0x4: {  	s29 =	rddreg [dreg:$0x3];
	s1 =	stileid.u32;
	s30 =	sand.u32 $0x1, s2  }
0x5: {  	s2 =	simm.s32 $0x0;
	s5 =	sshll.u32 s1, $0xF;
	s6 =	sshll.u32 s30, $0xE  }
0x6: {  	[smem:$0x7FF] =	sst s2;
	s25 =	sor.u32 s6, s5  }
0x7: {  	s4 =	rddreg [dreg:$0x4];
	_ =	strace $0x80000047;
	s5 =	sadd.s32 s3, s25  }
0x8: {  	s26 =	sor.u32 $0x2000, s25;
	s21 =	sadd.s32 s19, s25;
	[dreg:$0x6] =	wrdreg s5  }
0x9: {  	s28 =	sor.u32 $0x1000, s25;
	s15 =	sadd.s32 s3, s26;
	[dreg:$0xa] =	wrdreg s21  }
0xa: {  	s31 =	sor.u32 $0x3000, s25;
	s16 =	sadd.s32 s3, s28;
	[dreg:$0x7] =	wrdreg s15  }
0xb: {  	s3 =	sadd.s32 s3, s31;
	[dreg:$0x8] =	wrdreg s16  }
0xc: {  	s17 =	sshll.u32 s1, $0x10;
	s20 =	sshll.u32 s1, $0x6;
	[dreg:$0x9] =	wrdreg s3  }
0xd: {  	s8 =	sor.u32 $0x1C06, s20;
	s5 =	sadd.s32 s17, s4;
	s18 =	rddreg [dreg:$0x6]  }
0xe: {  	s3 =	sor.u32 $0x1C05, s20;
	s4 =	sshrl.u32 s5, $0x3;
	s7 =	rddreg [dreg:$0x7]  }
0xf: {  	[tilespmem:s2], [sflag:$0x1] =	stream.linear.gather [hbm4b:s18+s2], $0x8000, $0x38;
	v63 =	vld [tilespmem:$0x0]  }
0x10: {  	[spmem:s4], [sflag:s3] =	dma.local [hbm:s7], $0x1000  }
0x11: {  	s22 =	sadd.s32 $0x8000, s5;
	s5 =	simm.s32 $0x8000;
	s9 =	rddreg [dreg:$0x8]  }
0x12: {  	s6 =	sshrl.u32 s22, $0x3;
	s7 =	simm.s32 $0x1;
	s10 =	rddreg [dreg:$0x9]  }
0x13: {  	[tilespmem:s5], [sflag:$0x2] =	stream.linear.gather [hbm4b:s9+s2], $0x8000, $0x38;
	v63 =	vld [tilespmem:$0x0]  }
0x14: {  	[spmem:s6], [sflag:s8] =	dma.local [hbm:s10], $0x1000  }
0x15: {  	_ =	swait.ge [sflag:s7], $0x8000  }
0x16: {  	[sflag:s7] =	ssyncset.done $0x0  }
0x17: {  	s9 =	simm.s32 $0x5;
	s23 =	rddreg [dreg:$0xa];
	[sflag:s7] =	ssyncadd.s32 $0xFFFF8000  }
0x18: {  	[hbm4b:s23+s2] =	stream.linear.scatter [tilespmem:s2], [sflag:$0x3], $0x8000, $0x38;
	v63 =	vld [tilespmem:$0x0]  }
0x19: {  	_ =	swait.ge [sflag:s9], $0x1000  }
0x1a: {  	s11 =	simm.s32 $0x3;
	[sflag:s9] =	ssyncset.done $0x0  }
0x1b: {  	s12 =	sor.u32 $0x1C07, s20;
	s10 =	sadd.s32 s19, s26;
	[sflag:s9] =	ssyncadd.s32 $0xFFFFF000  }
0x1c: {  	[hbm:s10], [sflag:s12] =	dma.local [spmem:s4], $0x1000  }
0x1d: {  	_ =	swait.ge [sflag:s11], $0x8000  }
0x1e: {  	[sflag:s11] =	ssyncset.done $0x0  }
0x1f: {  	s14 =	simm.s32 $0x7;
	s13 =	sadd.s32 s24, s25;
	[sflag:s11] =	ssyncadd.s32 $0xFFFF8000  }
0x20: {  	[tilespmem:s2], [sflag:$0x1] =	stream.linear.gather [hbm4b:s13+s2], $0x8000, $0x38;
	v63 =	vld [tilespmem:$0x0]  }
0x21: {  	_ =	swait.ge [sflag:s14], $0x1000  }
0x22: {  	[sflag:s14] =	ssyncset.done $0x0  }
0x23: {  	s15 =	sadd.s32 s24, s26;
	s16 =	simm.s32 $0x2;
	[sflag:s14] =	ssyncadd.s32 $0xFFFFF000  }
0x24: {  	[spmem:s4], [sflag:s3] =	dma.local [hbm:s15], $0x1000  }
0x25: {  	_ =	swait.ge [sflag:s16], $0x8000  }
0x26: {  	[sflag:s16] =	ssyncset.done $0x0  }
0x27: {  	s17 =	sadd.s32 s19, s28;
	s18 =	simm.s32 $0x6;
	[sflag:s16] =	ssyncadd.s32 $0xFFFF8000  }
0x28: {  	[hbm4b:s17+s2] =	stream.linear.scatter [tilespmem:s5], [sflag:$0x4], $0x8000, $0x38;
	v63 =	vld [tilespmem:$0x0]  }
0x29: {  	_ =	swait.ge [sflag:s18], $0x1000  }
0x2a: {  	s21 =	simm.s32 $0x4;
	[sflag:s18] =	ssyncset.done $0x0  }
0x2b: {  	s20 =	sor.u32 $0x1C08, s20;
	s19 =	sadd.s32 s19, s31;
	[sflag:s18] =	ssyncadd.s32 $0xFFFFF000  }
0x2c: {  	[hbm:s19], [sflag:s20] =	dma.local [spmem:s6], $0x1000  }
0x2d: {  	_ =	swait.ge [sflag:s21], $0x8000  }
0x2e: {  	[sflag:s21] =	ssyncset.done $0x0  }
0x2f: {  	s22 =	simm.s32 $0x8;
	s23 =	sadd.s32 s24, s28;
	[sflag:s21] =	ssyncadd.s32 $0xFFFF8000  }
0x30: {  	[tilespmem:s5], [sflag:$0x2] =	stream.linear.gather [hbm4b:s23+s2], $0x8000, $0x38;
	v63 =	vld [tilespmem:$0x0]  }
0x31: {  	_ =	swait.ge [sflag:s22], $0x1000  }
0x32: {  	[sflag:s22] =	ssyncset.done $0x0  }
0x33: {  	s24 =	sadd.s32 s24, s31;
	[sflag:s22] =	ssyncadd.s32 $0xFFFFF000  }
0x34: {  	[spmem:s6], [sflag:s8] =	dma.local [hbm:s24], $0x1000  }
0x35: {  	_ =	swait.ge [sflag:s7], $0x8000  }
0x36: {  	[sflag:s7] =	ssyncset.done $0x0  }
0x37: {  	s25 =	sadd.s32 s29, s25;
	[sflag:s7] =	ssyncadd.s32 $0xFFFF8000  }
0x38: {  	[hbm4b:s25+s2] =	stream.linear.scatter [tilespmem:s2], [sflag:$0x3], $0x8000, $0x38;
	v63 =	vld [tilespmem:$0x0]  }
0x39: {  	_ =	swait.ge [sflag:s9], $0x1000  }
0x3a: {  	[sflag:s9] =	ssyncset.done $0x0  }
0x3b: {  	s26 =	sadd.s32 s29, s26;
	[sflag:s9] =	ssyncadd.s32 $0xFFFFF000  }
0x3c: {  	[hbm:s26], [sflag:s12] =	dma.local [spmem:s4], $0x1000  }
0x3d: {  	_ =	swait.ge [sflag:s16], $0x8000  }
0x3e: {  	[sflag:s16] =	ssyncset.done $0x0  }
0x3f: {  	s28 =	sadd.s32 s29, s28;
	[sflag:s16] =	ssyncadd.s32 $0xFFFF8000  }
0x40: {  	[hbm4b:s28+s2] =	stream.linear.scatter [tilespmem:s5], [sflag:$0x4], $0x8000, $0x38;
	v63 =	vld [tilespmem:$0x0]  }
0x41: {  	_ =	swait.ge [sflag:s18], $0x1000  }
0x42: {  	[sflag:s18] =	ssyncset.done $0x0  }
0x43: {  	s29 =	sadd.s32 s29, s31;
	[sflag:s18] =	ssyncadd.s32 $0xFFFFF000  }
0x44: {  	[hbm:s29], [sflag:s20] =	dma.local [spmem:s6], $0x1000  }
0x45: {  	s30 =	ssub.s32 $0x2, s30;
	_ =	swait.ge [sflag:s11], $0x8000  }
0x46: {  	s0 =	sshrl.u32 s30, $0x1;
	[sflag:s11] =	ssyncset.done $0x0  }
0x47: {  	s30 =	ssub.s32 s30, s0;
	[sflag:s11] =	ssyncadd.s32 $0xFFFF8000  }
0x48: {  	s30 =	smax.u32 s30, $0x1;
	_ =	swait.ge [sflag:s14], $0x1000  }
0x49: {  	p0 =	sne.s32 s30, $0x1;
	[sflag:s14] =	ssyncset.done $0x0  }
.Ltmp0:
0x4a: {  	[sflag:s14] =	ssyncadd.s32 $0xFFFFF000;
	(pc) =	sbr.rel @!p0 .LBB2_2-.Ltmp0, $4  }
0x4b: {  	_ =	swait.ge [sflag:s21], $0x8000  }
0x4c: {  	[sflag:s21] =	ssyncset.done $0x0  }
0x4d: {  	[sflag:s21] =	ssyncadd.s32 $0xFFFF8000  }
0x4e: {  	s30 =	sadd.s32 $0xFFFFFFFF, s30;
	_ =	swait.ge [sflag:s22], $0x1000  }
.LBB2_1:
0x4f: {  	s31 =	rddreg [dreg:$0x6];
	[sflag:s22] =	ssyncset.done $0x0  }
0x50: {  	s0 =	rddreg [dreg:$0x7];
	[sflag:s22] =	ssyncadd.s32 $0xFFFFF000  }
0x51: {  	[tilespmem:s2], [sflag:$0x1] =	stream.linear.gather [hbm4b:s31+s2], $0x8000, $0x38;
	v63 =	vld [tilespmem:$0x0]  }
0x52: {  	[spmem:s4], [sflag:s3] =	dma.local [hbm:s0], $0x1000  }
0x53: {  	s0 =	rddreg [dreg:$0x8]  }
0x54: {  	s31 =	rddreg [dreg:$0x9]  }
0x55: {  	[tilespmem:s5], [sflag:$0x2] =	stream.linear.gather [hbm4b:s0+s2], $0x8000, $0x38;
	v63 =	vld [tilespmem:$0x0]  }
0x56: {  	[spmem:s6], [sflag:s8] =	dma.local [hbm:s31], $0x1000  }
0x57: {  	_ =	swait.ge [sflag:s7], $0x8000  }
0x58: {  	[sflag:s7] =	ssyncset.done $0x0  }
0x59: {  	s31 =	rddreg [dreg:$0xa];
	[sflag:s7] =	ssyncadd.s32 $0xFFFF8000  }
0x5a: {  	[hbm4b:s31+s2] =	stream.linear.scatter [tilespmem:s2], [sflag:$0x3], $0x8000, $0x38;
	v63 =	vld [tilespmem:$0x0]  }
0x5b: {  	_ =	swait.ge [sflag:s9], $0x1000  }
0x5c: {  	[sflag:s9] =	ssyncset.done $0x0  }
0x5d: {  	[sflag:s9] =	ssyncadd.s32 $0xFFFFF000  }
0x5e: {  	[hbm:s10], [sflag:s12] =	dma.local [spmem:s4], $0x1000  }
0x5f: {  	_ =	swait.ge [sflag:s11], $0x8000  }
0x60: {  	[sflag:s11] =	ssyncset.done $0x0  }
0x61: {  	[sflag:s11] =	ssyncadd.s32 $0xFFFF8000  }
0x62: {  	[tilespmem:s2], [sflag:$0x1] =	stream.linear.gather [hbm4b:s13+s2], $0x8000, $0x38;
	v63 =	vld [tilespmem:$0x0]  }
0x63: {  	_ =	swait.ge [sflag:s14], $0x1000  }
0x64: {  	[sflag:s14] =	ssyncset.done $0x0  }
0x65: {  	[sflag:s14] =	ssyncadd.s32 $0xFFFFF000  }
0x66: {  	[spmem:s4], [sflag:s3] =	dma.local [hbm:s15], $0x1000  }
0x67: {  	_ =	swait.ge [sflag:s16], $0x8000  }
0x68: {  	[sflag:s16] =	ssyncset.done $0x0  }
0x69: {  	[sflag:s16] =	ssyncadd.s32 $0xFFFF8000  }
0x6a: {  	[hbm4b:s17+s2] =	stream.linear.scatter [tilespmem:s5], [sflag:$0x4], $0x8000, $0x38;
	v63 =	vld [tilespmem:$0x0]  }
0x6b: {  	_ =	swait.ge [sflag:s18], $0x1000  }
0x6c: {  	[sflag:s18] =	ssyncset.done $0x0  }
0x6d: {  	[sflag:s18] =	ssyncadd.s32 $0xFFFFF000  }
0x6e: {  	[hbm:s19], [sflag:s20] =	dma.local [spmem:s6], $0x1000  }
0x6f: {  	_ =	swait.ge [sflag:s21], $0x8000  }
0x70: {  	[sflag:s21] =	ssyncset.done $0x0  }
0x71: {  	[sflag:s21] =	ssyncadd.s32 $0xFFFF8000  }
0x72: {  	[tilespmem:s5], [sflag:$0x2] =	stream.linear.gather [hbm4b:s23+s2], $0x8000, $0x38;
	v63 =	vld [tilespmem:$0x0]  }
0x73: {  	_ =	swait.ge [sflag:s22], $0x1000  }
0x74: {  	[sflag:s22] =	ssyncset.done $0x0  }
0x75: {  	[sflag:s22] =	ssyncadd.s32 $0xFFFFF000  }
0x76: {  	[spmem:s6], [sflag:s8] =	dma.local [hbm:s24], $0x1000  }
0x77: {  	_ =	swait.ge [sflag:s7], $0x8000  }
0x78: {  	[sflag:s7] =	ssyncset.done $0x0  }
0x79: {  	[sflag:s7] =	ssyncadd.s32 $0xFFFF8000  }
0x7a: {  	[hbm4b:s25+s2] =	stream.linear.scatter [tilespmem:s2], [sflag:$0x3], $0x8000, $0x38;
	v63 =	vld [tilespmem:$0x0]  }
0x7b: {  	_ =	swait.ge [sflag:s9], $0x1000  }
0x7c: {  	[sflag:s9] =	ssyncset.done $0x0  }
0x7d: {  	[sflag:s9] =	ssyncadd.s32 $0xFFFFF000  }
0x7e: {  	[hbm:s26], [sflag:s12] =	dma.local [spmem:s4], $0x1000  }
0x7f: {  	_ =	swait.ge [sflag:s16], $0x8000  }
0x80: {  	[sflag:s16] =	ssyncset.done $0x0  }
0x81: {  	[sflag:s16] =	ssyncadd.s32 $0xFFFF8000  }
0x82: {  	[hbm4b:s28+s2] =	stream.linear.scatter [tilespmem:s5], [sflag:$0x4], $0x8000, $0x38;
	v63 =	vld [tilespmem:$0x0]  }
0x83: {  	_ =	swait.ge [sflag:s18], $0x1000  }
0x84: {  	[sflag:s18] =	ssyncset.done $0x0  }
0x85: {  	[sflag:s18] =	ssyncadd.s32 $0xFFFFF000  }
0x86: {  	[hbm:s29], [sflag:s20] =	dma.local [spmem:s6], $0x1000  }
0x87: {  	_ =	swait.ge [sflag:s11], $0x8000  }
0x88: {  	[sflag:s11] =	ssyncset.done $0x0  }
0x89: {  	[sflag:s11] =	ssyncadd.s32 $0xFFFF8000  }
0x8a: {  	_ =	swait.ge [sflag:s14], $0x1000  }
0x8b: {  	p0 =	sne.s32 s30, $0x1;
	[sflag:s14] =	ssyncset.done $0x0  }
.Ltmp1:
0x8c: {  	[sflag:s14] =	ssyncadd.s32 $0xFFFFF000;
	(pc) =	sbr.rel @p0 .LBB2_1-.Ltmp1, $4  }
0x8d: {  	_ =	swait.ge [sflag:s21], $0x8000  }
0x8e: {  	[sflag:s21] =	ssyncset.done $0x0  }
0x8f: {  	[sflag:s21] =	ssyncadd.s32 $0xFFFF8000  }
0x90: {  	s30 =	sadd.s32 $0xFFFFFFFF, s30;
	_ =	swait.ge [sflag:s22], $0x1000  }
.LBB2_2:
0x91: {  	[sflag:s22] =	ssyncset.done $0x0  }
0x92: {  	[sflag:s22] =	ssyncadd.s32 $0xFFFFF000  }
0x93: {  	_ =	sfence.sel $0x180000  }
0x94: {  	[bflag:$0x0] =	sbarrier.arrive $0xFFFF  }
0x95: {  	_ =	strace $0x90000047  }
0x96: {  	[bflag:$0x2] =	sbarrier.arrive $0xFFFF  }
0x97: {  	p0 =	sne.s32 s1, $0x0;
	s0 =	rddreg [dreg:$0x5]  }
0x98: {  	s0 =	sadd.s32 @!p0 $0x100000, s0  }
0x99: {  	[sflag:s0] =	ssyncadd.tile.s32 @!p0 $0x1;
	_ =	shalt  }
.Lfunc_end2:
_tile_overlayer_lowered:
.L_overlay_start_2:
0x9a: {  	(tag) =	ssettag $0x2  }
0x9b: {  	s0 =	rddreg [dreg:$0x0];
	s2 =	stileid.u32  }
0x9c: {  	s1 =	rddreg [dreg:$0x1];
	p0 =	sne.s32 s2, $0x0  }
0x9d: {  	s3 =	rddreg [dreg:$0x2];
	[bflag:$0x3] =	sbarrier.arrive $0xFFFF;
	s2 =	simm.s32 @!p0 $0x1C09  }
0x9e: {  	[timem:s3], [sflag:s2] =	dma.local @!p0 [hbm:s0], s1  }
0x9f: {  	s0 =	simm.s32 @!p0 $0x9  }
0xa0: {  	_ =	swait.ge @!p0 [sflag:s0], s1  }
0xa1: {  	s1 =	ssub.s32 @!p0 $0x0, s1;
	[sflag:s0] =	ssyncset.done @!p0 $0x0  }
0xa2: {  	[sflag:s0] =	ssyncadd.s32 @!p0 s1  }
0xa3: {  	[bflag:$0x3] =	sbarrier.arrive $0xFFFF  }
0xa4: {  	_ =	shalt  }

</sc_bundles>
